<compile_context>
chip_gen: v7x
topology: tpu7x:2x2x1
jax: 0.10.2.dev20260603
libtpu: 0.0.44.dev20260713+nightly
codegen_flags: <defaults>
</compile_context>

<pallas_src>
import functools

import jax
import jax.numpy as jnp
from jax import lax
from jax.experimental import pallas as pl
from jax.experimental.pallas import tpu as pltpu
from jax.experimental.pallas import tpu_sc as plsc

VOCAB = 100000
EMBED_DIM = 64
BATCH = 16384

NUM_CORES = 2
NUM_SUBCORES = 16
NUM_WORKERS = NUM_CORES * NUM_SUBCORES
NUM_PASSES = EMBED_DIM // NUM_WORKERS
ICHUNK = 8192
NCHUNKS = BATCH // ICHUNK
LANES = 16

_mesh = plsc.VectorSubcoreMesh(core_axis_name="c", subcore_axis_name="s")


@functools.partial(
    pl.kernel,
    mesh=_mesh,
    out_type=jax.ShapeDtypeStruct((EMBED_DIM, BATCH), jnp.float32),
    scratch_types=[
        pltpu.VMEM((VOCAB,), jnp.float32),
        pltpu.VMEM((BATCH,), jnp.int32),
        pltpu.VMEM((ICHUNK,), jnp.float32),
        pltpu.SemaphoreType.DMA,
        pltpu.SemaphoreType.DMA,
    ],
    compiler_params=pltpu.CompilerParams(needs_layout_passes=False),
)
def _gather_kernel(idx_hbm, tabT_hbm, outT_hbm, row_v, idx_v, oc_v, sem, osem):
    wid = lax.axis_index("s") * NUM_CORES + lax.axis_index("c")
    idx_cp = pltpu.async_copy(idx_hbm, idx_v, sem)
    row_cp = pltpu.async_copy(tabT_hbm.at[wid, :], row_v, sem)
    idx_cp.wait()
    row_cp.wait()
    out_cp = None
    for p in range(NUM_PASSES):
        f = p * NUM_WORKERS + wid
        for c in range(NCHUNKS):
            if out_cp is not None:
                out_cp.wait()

            @plsc.parallel_loop(0, ICHUNK // LANES, unroll=16)
            def body(j):
                iv = idx_v[pl.ds(c * ICHUNK + j * LANES, LANES)]
                oc_v[pl.ds(j * LANES, LANES)] = plsc.load_gather(row_v, [iv])

            out_cp = pltpu.async_copy(
                oc_v, outT_hbm.at[f, pl.ds(c * ICHUNK, ICHUNK)], osem
            )
        if p + 1 < NUM_PASSES:
            row_cp = pltpu.async_copy(
                tabT_hbm.at[(p + 1) * NUM_WORKERS + wid, :], row_v, sem
            )
            out_cp.wait()
            out_cp = None
            row_cp.wait()
        else:
            out_cp.wait()


def kernel(indices, table):
    outT = _gather_kernel(indices.astype(jnp.int32), table.T)
    return outT.T

# --- scband reference (transcript-rebuilt; emitter-appended) ---
"""Pipeline reference for scband-type-token-manager-57037165691561 (READ-ONLY COPY).

The authoritative reference and input builder live on the scoring server;
editing this copy changes nothing except your own understanding.
"""

import jax, jax.numpy as jnp
import numpy as np

VOCAB = 100000
EMBED_DIM = 64
BATCH = 16384

def setup_inputs(seed: int = 0) -> dict:
    key = jax.random.key(seed)
    k_idx, k_tab = jax.random.split(key)
    indices = jax.random.randint(k_idx, (BATCH,), 0, VOCAB, dtype=jnp.int64 if jax.config.jax_enable_x64 else jnp.int32)
    # Embedding table: the torch module grows its table per type string; here we
    # materialize the fully-grown table of size [VOCAB, EMBED_DIM], initialized
    # like nn.Embedding rows grown with uniform_(-0.02, 0.02) semantics (use normal for base).
    table = jax.random.uniform(k_tab, (VOCAB, EMBED_DIM), minval=-0.02, maxval=0.02, dtype=jnp.float32)
    return {"indices": indices, "table": table}

def reference(indices, table):
    # TypeTokenManager.forward: ids -> self.embedding(ids)
    # Pure embedding gather.
    return jnp.take(table, indices, axis=0)

if __name__ == "__main__":
    import jax
    _d = setup_inputs()
    print(jax.jit(kernel)(*tuple(_d.values())))

</pallas_src>

<mosaic_0001>
#map = affine_map<(d0, d1) -> (0)>
#map1 = affine_map<(d0, d1) -> (0, 0)>
module attributes {stable_mosaic.version = 14 : i64} {
  func.func @_gather_kernel(%arg0: i32, %arg1: i32, %arg2: memref<16384xi32, #tpu.memory_space<hbm>>, %arg3: memref<64x100000xf32, #tpu.memory_space<hbm>>, %arg4: memref<64x16384xf32, #tpu.memory_space<hbm>>, %arg5: memref<100000xf32, #tpu.memory_space<vmem>>, %arg6: memref<16384xi32, #tpu.memory_space<vmem>>, %arg7: memref<8192xf32, #tpu.memory_space<vmem>>, %arg8: memref<!tpu.dma_semaphore, #tpu.memory_space<semaphore_mem>>, %arg9: memref<!tpu.dma_semaphore, #tpu.memory_space<semaphore_mem>>) attributes {dimension_semantics = [#tpu.dimension_semantics<core_parallel>, #tpu.dimension_semantics<subcore_parallel>], iteration_bounds = array<i64: 2, 16>, scalar_prefetch = 0 : i64, scratch_operands = 5 : i64, tpu.core_type = #tpu.core_type<sc_vector_subcore>, window_params = [{transform_indices = #map}, {transform_indices = #map1}, {transform_indices = #map1}]} {
    %mul3A = arith.constant 2 : i32
    %mul3A_0 = arith.muli %arg1, %mul3A : i32
    %add3A = arith.addi %mul3A_0, %arg0 : i32
    tpu.enqueue_dma source(%arg2 : memref<16384xi32, #tpu.memory_space<hbm>>) target(%arg6 : memref<16384xi32, #tpu.memory_space<vmem>>) target_semaphore(%arg8 : memref<!tpu.dma_semaphore, #tpu.memory_space<semaphore_mem>>)
    %dma_start3A = arith.constant 0 : i32
    %dma_start3A_1 = tpu.memref_slice %arg3[%add3A, %dma_start3A] : memref<64x100000xf32, #tpu.memory_space<hbm>> -> memref<1x100000xf32, #tpu.memory_space<hbm>>
    %dma_start3A_2 = tpu.memref_squeeze %dma_start3A_1 : memref<1x100000xf32, #tpu.memory_space<hbm>> -> memref<100000xf32, #tpu.memory_space<hbm>>
    %dma_start3A_3 = arith.constant 0 : i32
    %dma_start3A_4 = tpu.memref_slice %arg3[%add3A, %dma_start3A_3] : memref<64x100000xf32, #tpu.memory_space<hbm>> -> memref<1x100000xf32, #tpu.memory_space<hbm>>
    %dma_start3A_5 = tpu.memref_squeeze %dma_start3A_4 : memref<1x100000xf32, #tpu.memory_space<hbm>> -> memref<100000xf32, #tpu.memory_space<hbm>>
    tpu.enqueue_dma source(%dma_start3A_5 : memref<100000xf32, #tpu.memory_space<hbm>>) target(%arg5 : memref<100000xf32, #tpu.memory_space<vmem>>) target_semaphore(%arg8 : memref<!tpu.dma_semaphore, #tpu.memory_space<semaphore_mem>>)
    tpu.wait_dma2 semaphore(%arg8 : memref<!tpu.dma_semaphore, #tpu.memory_space<semaphore_mem>>) src(%arg2 : memref<16384xi32, #tpu.memory_space<hbm>>) dst(%arg6 : memref<16384xi32, #tpu.memory_space<vmem>>)
    %dma_wait3A = arith.constant 0 : i32
    %dma_wait3A_6 = tpu.memref_slice %arg3[%add3A, %dma_wait3A] : memref<64x100000xf32, #tpu.memory_space<hbm>> -> memref<1x100000xf32, #tpu.memory_space<hbm>>
    %dma_wait3A_7 = tpu.memref_squeeze %dma_wait3A_6 : memref<1x100000xf32, #tpu.memory_space<hbm>> -> memref<100000xf32, #tpu.memory_space<hbm>>
    %dma_wait3A_8 = arith.constant 0 : i32
    %dma_wait3A_9 = tpu.memref_slice %arg3[%add3A, %dma_wait3A_8] : memref<64x100000xf32, #tpu.memory_space<hbm>> -> memref<1x100000xf32, #tpu.memory_space<hbm>>
    %dma_wait3A_10 = tpu.memref_squeeze %dma_wait3A_9 : memref<1x100000xf32, #tpu.memory_space<hbm>> -> memref<100000xf32, #tpu.memory_space<hbm>>
    tpu.wait_dma2 semaphore(%arg8 : memref<!tpu.dma_semaphore, #tpu.memory_space<semaphore_mem>>) src(%dma_wait3A_10 : memref<100000xf32, #tpu.memory_space<hbm>>) dst(%arg5 : memref<100000xf32, #tpu.memory_space<vmem>>)
    %add3A_11 = arith.constant 0 : i32
    %add3A_12 = arith.addi %add3A_11, %add3A : i32
    %parallel_loop3A = arith.constant 0 : i32
    %parallel_loop3A_13 = arith.constant 512 : i32
    %parallel_loop3A_14 = arith.constant 1 : i32
    scf.for %parallel_loop3A_88 = %parallel_loop3A to %parallel_loop3A_13 step %parallel_loop3A_14  : i32 {
      %parallel_loop3A_89 = arith.constant 16 : i32
      %parallel_loop3A_90 = arith.muli %parallel_loop3A_88, %parallel_loop3A_89 : i32
      %parallel_loop3A_91 = arith.constant 0 : i32
      %parallel_loop3A_92 = arith.addi %parallel_loop3A_91, %parallel_loop3A_90 : i32
      %parallel_loop3A_93 = arith.index_cast %parallel_loop3A_92 : i32 to index
      %parallel_loop3A_94 = tpu.vector_load %arg6[%parallel_loop3A_93] {strides = array<i32>} : memref<16384xi32, #tpu.memory_space<vmem>>, vector<16xi32>,
      %parallel_loop3A_95 = tpu.vector_load_idx %arg5[%parallel_loop3A_94] : memref<100000xf32, #tpu.memory_space<vmem>>[vector<16xi32>], vector<16xf32>,
      %parallel_loop3A_96 = arith.constant 16 : i32
      %parallel_loop3A_97 = arith.muli %parallel_loop3A_88, %parallel_loop3A_96 : i32
      %parallel_loop3A_98 = arith.index_cast %parallel_loop3A_97 : i32 to index
      %parallel_loop3A_99 = tpu.vector_load %arg7[%parallel_loop3A_98] {strides = array<i32>} : memref<8192xf32, #tpu.memory_space<vmem>>, vector<16xf32>,
      tpu.vector_store %arg7[%parallel_loop3A_98], %parallel_loop3A_95 {strides = array<i32>} : memref<8192xf32, #tpu.memory_space<vmem>>, vector<16xf32>,
    } {sc.loop_unroll_factor = 16 : i64, sc.parallel_access}
    %dma_start3A_15 = arith.constant 0 : i32
    %dma_start3A_16 = tpu.memref_slice %arg4[%add3A_12, %dma_start3A_15] : memref<64x16384xf32, #tpu.memory_space<hbm>> -> memref<1x8192xf32, #tpu.memory_space<hbm>>
    %dma_start3A_17 = tpu.memref_squeeze %dma_start3A_16 : memref<1x8192xf32, #tpu.memory_space<hbm>> -> memref<8192xf32, #tpu.memory_space<hbm>>
    %dma_start3A_18 = arith.constant 0 : i32
    %dma_start3A_19 = tpu.memref_slice %arg4[%add3A_12, %dma_start3A_18] : memref<64x16384xf32, #tpu.memory_space<hbm>> -> memref<1x8192xf32, #tpu.memory_space<hbm>>
    %dma_start3A_20 = tpu.memref_squeeze %dma_start3A_19 : memref<1x8192xf32, #tpu.memory_space<hbm>> -> memref<8192xf32, #tpu.memory_space<hbm>>
    tpu.enqueue_dma source(%arg7 : memref<8192xf32, #tpu.memory_space<vmem>>) target(%dma_start3A_20 : memref<8192xf32, #tpu.memory_space<hbm>>) target_semaphore(%arg9 : memref<!tpu.dma_semaphore, #tpu.memory_space<semaphore_mem>>)
    %dma_wait3A_21 = arith.constant 0 : i32
    %dma_wait3A_22 = tpu.memref_slice %arg4[%add3A_12, %dma_wait3A_21] : memref<64x16384xf32, #tpu.memory_space<hbm>> -> memref<1x8192xf32, #tpu.memory_space<hbm>>
    %dma_wait3A_23 = tpu.memref_squeeze %dma_wait3A_22 : memref<1x8192xf32, #tpu.memory_space<hbm>> -> memref<8192xf32, #tpu.memory_space<hbm>>
    %dma_wait3A_24 = arith.constant 0 : i32
    %dma_wait3A_25 = tpu.memref_slice %arg4[%add3A_12, %dma_wait3A_24] : memref<64x16384xf32, #tpu.memory_space<hbm>> -> memref<1x8192xf32, #tpu.memory_space<hbm>>
    %dma_wait3A_26 = tpu.memref_squeeze %dma_wait3A_25 : memref<1x8192xf32, #tpu.memory_space<hbm>> -> memref<8192xf32, #tpu.memory_space<hbm>>
    tpu.wait_dma2 semaphore(%arg9 : memref<!tpu.dma_semaphore, #tpu.memory_space<semaphore_mem>>) src(%arg7 : memref<8192xf32, #tpu.memory_space<vmem>>) dst(%dma_wait3A_26 : memref<8192xf32, #tpu.memory_space<hbm>>)
    %parallel_loop3A_27 = arith.constant 0 : i32
    %parallel_loop3A_28 = arith.constant 512 : i32
    %parallel_loop3A_29 = arith.constant 1 : i32
    scf.for %parallel_loop3A_88 = %parallel_loop3A_27 to %parallel_loop3A_28 step %parallel_loop3A_29  : i32 {
      %parallel_loop3A_89 = arith.constant 16 : i32
      %parallel_loop3A_90 = arith.muli %parallel_loop3A_88, %parallel_loop3A_89 : i32
      %parallel_loop3A_91 = arith.constant 8192 : i32
      %parallel_loop3A_92 = arith.addi %parallel_loop3A_91, %parallel_loop3A_90 : i32
      %parallel_loop3A_93 = arith.index_cast %parallel_loop3A_92 : i32 to index
      %parallel_loop3A_94 = tpu.vector_load %arg6[%parallel_loop3A_93] {strides = array<i32>} : memref<16384xi32, #tpu.memory_space<vmem>>, vector<16xi32>,
      %parallel_loop3A_95 = tpu.vector_load_idx %arg5[%parallel_loop3A_94] : memref<100000xf32, #tpu.memory_space<vmem>>[vector<16xi32>], vector<16xf32>,
      %parallel_loop3A_96 = arith.constant 16 : i32
      %parallel_loop3A_97 = arith.muli %parallel_loop3A_88, %parallel_loop3A_96 : i32
      %parallel_loop3A_98 = arith.index_cast %parallel_loop3A_97 : i32 to index
      %parallel_loop3A_99 = tpu.vector_load %arg7[%parallel_loop3A_98] {strides = array<i32>} : memref<8192xf32, #tpu.memory_space<vmem>>, vector<16xf32>,
      tpu.vector_store %arg7[%parallel_loop3A_98], %parallel_loop3A_95 {strides = array<i32>} : memref<8192xf32, #tpu.memory_space<vmem>>, vector<16xf32>,
    } {sc.loop_unroll_factor = 16 : i64, sc.parallel_access}
    %dma_start3A_30 = arith.constant 8192 : i32
    %dma_start3A_31 = tpu.memref_slice %arg4[%add3A_12, %dma_start3A_30] : memref<64x16384xf32, #tpu.memory_space<hbm>> -> memref<1x8192xf32, #tpu.memory_space<hbm>>
    %dma_start3A_32 = tpu.memref_squeeze %dma_start3A_31 : memref<1x8192xf32, #tpu.memory_space<hbm>> -> memref<8192xf32, #tpu.memory_space<hbm>>
    %dma_start3A_33 = arith.constant 8192 : i32
    %dma_start3A_34 = tpu.memref_slice %arg4[%add3A_12, %dma_start3A_33] : memref<64x16384xf32, #tpu.memory_space<hbm>> -> memref<1x8192xf32, #tpu.memory_space<hbm>>
    %dma_start3A_35 = tpu.memref_squeeze %dma_start3A_34 : memref<1x8192xf32, #tpu.memory_space<hbm>> -> memref<8192xf32, #tpu.memory_space<hbm>>
    tpu.enqueue_dma source(%arg7 : memref<8192xf32, #tpu.memory_space<vmem>>) target(%dma_start3A_35 : memref<8192xf32, #tpu.memory_space<hbm>>) target_semaphore(%arg9 : memref<!tpu.dma_semaphore, #tpu.memory_space<semaphore_mem>>)
    %add3A_36 = arith.constant 32 : i32
    %add3A_37 = arith.addi %add3A_36, %add3A : i32
    %dma_start3A_38 = arith.constant 0 : i32
    %dma_start3A_39 = tpu.memref_slice %arg3[%add3A_37, %dma_start3A_38] : memref<64x100000xf32, #tpu.memory_space<hbm>> -> memref<1x100000xf32, #tpu.memory_space<hbm>>
    %dma_start3A_40 = tpu.memref_squeeze %dma_start3A_39 : memref<1x100000xf32, #tpu.memory_space<hbm>> -> memref<100000xf32, #tpu.memory_space<hbm>>
    %dma_start3A_41 = arith.constant 0 : i32
    %dma_start3A_42 = tpu.memref_slice %arg3[%add3A_37, %dma_start3A_41] : memref<64x100000xf32, #tpu.memory_space<hbm>> -> memref<1x100000xf32, #tpu.memory_space<hbm>>
    %dma_start3A_43 = tpu.memref_squeeze %dma_start3A_42 : memref<1x100000xf32, #tpu.memory_space<hbm>> -> memref<100000xf32, #tpu.memory_space<hbm>>
    tpu.enqueue_dma source(%dma_start3A_43 : memref<100000xf32, #tpu.memory_space<hbm>>) target(%arg5 : memref<100000xf32, #tpu.memory_space<vmem>>) target_semaphore(%arg8 : memref<!tpu.dma_semaphore, #tpu.memory_space<semaphore_mem>>)
    %dma_wait3A_44 = arith.constant 8192 : i32
    %dma_wait3A_45 = tpu.memref_slice %arg4[%add3A_12, %dma_wait3A_44] : memref<64x16384xf32, #tpu.memory_space<hbm>> -> memref<1x8192xf32, #tpu.memory_space<hbm>>
    %dma_wait3A_46 = tpu.memref_squeeze %dma_wait3A_45 : memref<1x8192xf32, #tpu.memory_space<hbm>> -> memref<8192xf32, #tpu.memory_space<hbm>>
    %dma_wait3A_47 = arith.constant 8192 : i32
    %dma_wait3A_48 = tpu.memref_slice %arg4[%add3A_12, %dma_wait3A_47] : memref<64x16384xf32, #tpu.memory_space<hbm>> -> memref<1x8192xf32, #tpu.memory_space<hbm>>
    %dma_wait3A_49 = tpu.memref_squeeze %dma_wait3A_48 : memref<1x8192xf32, #tpu.memory_space<hbm>> -> memref<8192xf32, #tpu.memory_space<hbm>>
    tpu.wait_dma2 semaphore(%arg9 : memref<!tpu.dma_semaphore, #tpu.memory_space<semaphore_mem>>) src(%arg7 : memref<8192xf32, #tpu.memory_space<vmem>>) dst(%dma_wait3A_49 : memref<8192xf32, #tpu.memory_space<hbm>>)
    %dma_wait3A_50 = arith.constant 0 : i32
    %dma_wait3A_51 = tpu.memref_slice %arg3[%add3A_37, %dma_wait3A_50] : memref<64x100000xf32, #tpu.memory_space<hbm>> -> memref<1x100000xf32, #tpu.memory_space<hbm>>
    %dma_wait3A_52 = tpu.memref_squeeze %dma_wait3A_51 : memref<1x100000xf32, #tpu.memory_space<hbm>> -> memref<100000xf32, #tpu.memory_space<hbm>>
    %dma_wait3A_53 = arith.constant 0 : i32
    %dma_wait3A_54 = tpu.memref_slice %arg3[%add3A_37, %dma_wait3A_53] : memref<64x100000xf32, #tpu.memory_space<hbm>> -> memref<1x100000xf32, #tpu.memory_space<hbm>>
    %dma_wait3A_55 = tpu.memref_squeeze %dma_wait3A_54 : memref<1x100000xf32, #tpu.memory_space<hbm>> -> memref<100000xf32, #tpu.memory_space<hbm>>
    tpu.wait_dma2 semaphore(%arg8 : memref<!tpu.dma_semaphore, #tpu.memory_space<semaphore_mem>>) src(%dma_wait3A_55 : memref<100000xf32, #tpu.memory_space<hbm>>) dst(%arg5 : memref<100000xf32, #tpu.memory_space<vmem>>)
    %add3A_56 = arith.constant 32 : i32
    %add3A_57 = arith.addi %add3A_56, %add3A : i32
    %parallel_loop3A_58 = arith.constant 0 : i32
    %parallel_loop3A_59 = arith.constant 512 : i32
    %parallel_loop3A_60 = arith.constant 1 : i32
    scf.for %parallel_loop3A_88 = %parallel_loop3A_58 to %parallel_loop3A_59 step %parallel_loop3A_60  : i32 {
      %parallel_loop3A_89 = arith.constant 16 : i32
      %parallel_loop3A_90 = arith.muli %parallel_loop3A_88, %parallel_loop3A_89 : i32
      %parallel_loop3A_91 = arith.constant 0 : i32
      %parallel_loop3A_92 = arith.addi %parallel_loop3A_91, %parallel_loop3A_90 : i32
      %parallel_loop3A_93 = arith.index_cast %parallel_loop3A_92 : i32 to index
      %parallel_loop3A_94 = tpu.vector_load %arg6[%parallel_loop3A_93] {strides = array<i32>} : memref<16384xi32, #tpu.memory_space<vmem>>, vector<16xi32>,
      %parallel_loop3A_95 = tpu.vector_load_idx %arg5[%parallel_loop3A_94] : memref<100000xf32, #tpu.memory_space<vmem>>[vector<16xi32>], vector<16xf32>,
      %parallel_loop3A_96 = arith.constant 16 : i32
      %parallel_loop3A_97 = arith.muli %parallel_loop3A_88, %parallel_loop3A_96 : i32
      %parallel_loop3A_98 = arith.index_cast %parallel_loop3A_97 : i32 to index
      %parallel_loop3A_99 = tpu.vector_load %arg7[%parallel_loop3A_98] {strides = array<i32>} : memref<8192xf32, #tpu.memory_space<vmem>>, vector<16xf32>,
      tpu.vector_store %arg7[%parallel_loop3A_98], %parallel_loop3A_95 {strides = array<i32>} : memref<8192xf32, #tpu.memory_space<vmem>>, vector<16xf32>,
    } {sc.loop_unroll_factor = 16 : i64, sc.parallel_access}
    %dma_start3A_61 = arith.constant 0 : i32
    %dma_start3A_62 = tpu.memref_slice %arg4[%add3A_57, %dma_start3A_61] : memref<64x16384xf32, #tpu.memory_space<hbm>> -> memref<1x8192xf32, #tpu.memory_space<hbm>>
    %dma_start3A_63 = tpu.memref_squeeze %dma_start3A_62 : memref<1x8192xf32, #tpu.memory_space<hbm>> -> memref<8192xf32, #tpu.memory_space<hbm>>
    %dma_start3A_64 = arith.constant 0 : i32
    %dma_start3A_65 = tpu.memref_slice %arg4[%add3A_57, %dma_start3A_64] : memref<64x16384xf32, #tpu.memory_space<hbm>> -> memref<1x8192xf32, #tpu.memory_space<hbm>>
    %dma_start3A_66 = tpu.memref_squeeze %dma_start3A_65 : memref<1x8192xf32, #tpu.memory_space<hbm>> -> memref<8192xf32, #tpu.memory_space<hbm>>
    tpu.enqueue_dma source(%arg7 : memref<8192xf32, #tpu.memory_space<vmem>>) target(%dma_start3A_66 : memref<8192xf32, #tpu.memory_space<hbm>>) target_semaphore(%arg9 : memref<!tpu.dma_semaphore, #tpu.memory_space<semaphore_mem>>)
    %dma_wait3A_67 = arith.constant 0 : i32
    %dma_wait3A_68 = tpu.memref_slice %arg4[%add3A_57, %dma_wait3A_67] : memref<64x16384xf32, #tpu.memory_space<hbm>> -> memref<1x8192xf32, #tpu.memory_space<hbm>>
    %dma_wait3A_69 = tpu.memref_squeeze %dma_wait3A_68 : memref<1x8192xf32, #tpu.memory_space<hbm>> -> memref<8192xf32, #tpu.memory_space<hbm>>
    %dma_wait3A_70 = arith.constant 0 : i32
    %dma_wait3A_71 = tpu.memref_slice %arg4[%add3A_57, %dma_wait3A_70] : memref<64x16384xf32, #tpu.memory_space<hbm>> -> memref<1x8192xf32, #tpu.memory_space<hbm>>
    %dma_wait3A_72 = tpu.memref_squeeze %dma_wait3A_71 : memref<1x8192xf32, #tpu.memory_space<hbm>> -> memref<8192xf32, #tpu.memory_space<hbm>>
    tpu.wait_dma2 semaphore(%arg9 : memref<!tpu.dma_semaphore, #tpu.memory_space<semaphore_mem>>) src(%arg7 : memref<8192xf32, #tpu.memory_space<vmem>>) dst(%dma_wait3A_72 : memref<8192xf32, #tpu.memory_space<hbm>>)
    %parallel_loop3A_73 = arith.constant 0 : i32
    %parallel_loop3A_74 = arith.constant 512 : i32
    %parallel_loop3A_75 = arith.constant 1 : i32
    scf.for %parallel_loop3A_88 = %parallel_loop3A_73 to %parallel_loop3A_74 step %parallel_loop3A_75  : i32 {
      %parallel_loop3A_89 = arith.constant 16 : i32
      %parallel_loop3A_90 = arith.muli %parallel_loop3A_88, %parallel_loop3A_89 : i32
      %parallel_loop3A_91 = arith.constant 8192 : i32
      %parallel_loop3A_92 = arith.addi %parallel_loop3A_91, %parallel_loop3A_90 : i32
      %parallel_loop3A_93 = arith.index_cast %parallel_loop3A_92 : i32 to index
      %parallel_loop3A_94 = tpu.vector_load %arg6[%parallel_loop3A_93] {strides = array<i32>} : memref<16384xi32, #tpu.memory_space<vmem>>, vector<16xi32>,
      %parallel_loop3A_95 = tpu.vector_load_idx %arg5[%parallel_loop3A_94] : memref<100000xf32, #tpu.memory_space<vmem>>[vector<16xi32>], vector<16xf32>,
      %parallel_loop3A_96 = arith.constant 16 : i32
      %parallel_loop3A_97 = arith.muli %parallel_loop3A_88, %parallel_loop3A_96 : i32
      %parallel_loop3A_98 = arith.index_cast %parallel_loop3A_97 : i32 to index
      %parallel_loop3A_99 = tpu.vector_load %arg7[%parallel_loop3A_98] {strides = array<i32>} : memref<8192xf32, #tpu.memory_space<vmem>>, vector<16xf32>,
      tpu.vector_store %arg7[%parallel_loop3A_98], %parallel_loop3A_95 {strides = array<i32>} : memref<8192xf32, #tpu.memory_space<vmem>>, vector<16xf32>,
    } {sc.loop_unroll_factor = 16 : i64, sc.parallel_access}
    %dma_start3A_76 = arith.constant 8192 : i32
    %dma_start3A_77 = tpu.memref_slice %arg4[%add3A_57, %dma_start3A_76] : memref<64x16384xf32, #tpu.memory_space<hbm>> -> memref<1x8192xf32, #tpu.memory_space<hbm>>
    %dma_start3A_78 = tpu.memref_squeeze %dma_start3A_77 : memref<1x8192xf32, #tpu.memory_space<hbm>> -> memref<8192xf32, #tpu.memory_space<hbm>>
    %dma_start3A_79 = arith.constant 8192 : i32
    %dma_start3A_80 = tpu.memref_slice %arg4[%add3A_57, %dma_start3A_79] : memref<64x16384xf32, #tpu.memory_space<hbm>> -> memref<1x8192xf32, #tpu.memory_space<hbm>>
    %dma_start3A_81 = tpu.memref_squeeze %dma_start3A_80 : memref<1x8192xf32, #tpu.memory_space<hbm>> -> memref<8192xf32, #tpu.memory_space<hbm>>
    tpu.enqueue_dma source(%arg7 : memref<8192xf32, #tpu.memory_space<vmem>>) target(%dma_start3A_81 : memref<8192xf32, #tpu.memory_space<hbm>>) target_semaphore(%arg9 : memref<!tpu.dma_semaphore, #tpu.memory_space<semaphore_mem>>)
    %dma_wait3A_82 = arith.constant 8192 : i32
    %dma_wait3A_83 = tpu.memref_slice %arg4[%add3A_57, %dma_wait3A_82] : memref<64x16384xf32, #tpu.memory_space<hbm>> -> memref<1x8192xf32, #tpu.memory_space<hbm>>
    %dma_wait3A_84 = tpu.memref_squeeze %dma_wait3A_83 : memref<1x8192xf32, #tpu.memory_space<hbm>> -> memref<8192xf32, #tpu.memory_space<hbm>>
    %dma_wait3A_85 = arith.constant 8192 : i32
    %dma_wait3A_86 = tpu.memref_slice %arg4[%add3A_57, %dma_wait3A_85] : memref<64x16384xf32, #tpu.memory_space<hbm>> -> memref<1x8192xf32, #tpu.memory_space<hbm>>
    %dma_wait3A_87 = tpu.memref_squeeze %dma_wait3A_86 : memref<1x8192xf32, #tpu.memory_space<hbm>> -> memref<8192xf32, #tpu.memory_space<hbm>>
    tpu.wait_dma2 semaphore(%arg9 : memref<!tpu.dma_semaphore, #tpu.memory_space<semaphore_mem>>) src(%arg7 : memref<8192xf32, #tpu.memory_space<vmem>>) dst(%dma_wait3A_87 : memref<8192xf32, #tpu.memory_space<hbm>>)
    return
  }
}

</mosaic_0001>

<sc_bundles>
// kernel: kernel.3.cloned.1.call-start
scs
__scs_entry_jumppad:
0x0: {  	(pc) =	sbr.rel $0x88, $3  }
0x1: {  	(tag) =	ssettag $0x0;
	lr =	simm.s32 $0x1  }
0x2: {  	[smem:$0x3F9F] =	sst lr;
	_ =	strace $0xD0000000  }
0x3: {  	_ = 	snop  }
0x4: {  	_ = 	snop  }
0x5: {  	_ = 	snop  }
0x6: {  	_ = 	snop  }
0x7: {  	_ = 	snop  }
__scs_overlays_trampoline_lowered:
0x8: {  	[smem:$0x3FAE] =	sst s0  }
0x9: {  	[smem:$0x3FAF] =	sst s1  }
0xa: {  	[smem:$0x3FB0] =	sst s2  }
0xb: {  	[smem:$0x3FB1] =	sst s3  }
0xc: {  	[smem:$0x3FB2] =	sst s4  }
0xd: {  	[smem:$0x3FB3] =	sst s5  }
0xe: {  	[smem:$0x3FB4] =	sst s6  }
0xf: {  	[smem:$0x3FB5] =	sst s7  }
0x10: {  	[smem:$0x3FB6] =	sst s8  }
0x11: {  	[smem:$0x3FB7] =	sst s9;
	s0 =	simm.s32 @!p0 $0x0  }
0x12: {  	s1 =	sld [smem:$0x3F9D];
	s0 =	simm.s32 @p0 $0x1  }
0x13: {  	[smem:$0x3FB8] =	sst s0;
	s0 =	simm.s32 @!p1 $0x0  }
0x14: {  	s2 =	sld [smem:$0x3F9C];
	s0 =	simm.s32 @p1 $0x1  }
0x15: {  	[smem:$0x3FB9] =	sst s0;
	s0 =	simm.s32 @!p2 $0x0  }
0x16: {  	s3 =	sld [smem:$0x3FDB];
	s0 =	simm.s32 @p2 $0x1  }
0x17: {  	s4 =	simm.s32 $0x1BF5;
	[smem:$0x3FBB] =	sst s0  }
0x18: {  	s0 =	sld [smem:$0x3F9E];
	_ =	swait.ge [sflag:s4], $0x0  }
0x19: {  	s7 =	sld [smem:$0x3F9F]  }
0x1a: {  	s8 =	sadd.s32 $0xFFFFE003, lr  }
0x1b: {  	s9 =	sadd.s32 $0xFFFFFEF7, lr;
	s5 =	simm.s32 $0xFFFFFFFF;
	p2 =	slt.u32 s8, $0xFFFFF086  }
0x1c: {  	p1 =	slt.u32 s9, $0xF7A;
	s5 =	simm.s32 @!p2 $0x0  }
0x1d: {  	s5 =	simm.s32 @p1 $0x1;
	p0 =	seq.s32 s7, s2  }
0x1e: {  	s7 =	smul.u32 @!p0 $0xF7A, s2;
	p2 =	seq.s32 @!p0 s5, $0x0  }
0x1f: {  	s9 =	smul.u32 $0xF7A, s1;
	s8 =	simm.s32 @!p0 $0x1BF5;
	p2 =	por !p2, p0  }
0x20: {  	[sflag:s8] =	ssyncset.s32 @!p0 $0xFFFFF086;
	s6 =	sadd.s32 @!p0 s3, s7;
	s7 =	simm.s32 @!p0 $0x108  }
0x21: {  	s3 =	sadd.s32 s3, s9;
	s6 =	sadd.s32 @!p0 $0x88, s6;
	s7 =	simm.s32 @p2 $0x1082  }
0x22: {  	[simem:s7], [sflag:s8] =	dma.local @!p0 [hbm:s6], $0xF7A  }
0x23: {  	s9 =	sor.u32 $0xD0000000, s2;
	s6 =	simm.s32 $0x108;
	_ =	swait.ge @!p0 [sflag:s8], $0x0  }
0x24: {  	s3 =	sadd.s32 $0x88, s3;
	s6 =	simm.s32 @!p1 $0x1082;
	[sflag:s4] =	ssyncset.s32 $0xFFFFF086  }
0x25: {  	[simem:s6], [sflag:s4] =	dma.local [hbm:s3], $0xF7A  }
0x26: {  	[smem:$0x3F9F] =	sst s1;
	(tag) =	ssettag s2;
	_ =	strace s9  }
0x27: {  	s1 =	sld [smem:$0x3FAF]  }
0x28: {  	s2 =	sld [smem:$0x3FB0]  }
0x29: {  	s4 =	sld [smem:$0x3FB2]  }
0x2a: {  	p0 =	seq.s32 s5, $0x0;
	s5 =	sld [smem:$0x3FB3]  }
0x2b: {  	s6 =	sld [smem:$0x3FB4]  }
0x2c: {  	s7 =	sld [smem:$0x3FB5]  }
0x2d: {  	s3 =	simm.s32 $0x108;
	s8 =	sld [smem:$0x3FB6]  }
0x2e: {  	s3 =	simm.s32 @!p0 $0x1082;
	s9 =	sld [smem:$0x3FB7]  }
0x2f: {  	lr =	sadd.s32 s0, s3;
	s0 =	sld [smem:$0x3FAE]  }
0x30: {  	s3 =	sld [smem:$0x3FB1]  }
0x31: {  	[smem:$0x3FBA] =	sst s10  }
0x32: {  	s10 =	sld [smem:$0x3FB8];
	_ =	sdelay $0x3  }
0x33: {  	p0 =	seq.s32 s10, $0x1;
	s10 =	sld [smem:$0x3FBA];
	_ =	sdelay $0x3  }
0x34: {  	[smem:$0x3FBA] =	sst s10  }
0x35: {  	s10 =	sld [smem:$0x3FB9];
	_ =	sdelay $0x3  }
0x36: {  	p1 =	seq.s32 s10, $0x1;
	s10 =	sld [smem:$0x3FBA];
	_ =	sdelay $0x3  }
0x37: {  	[smem:$0x3FBA] =	sst s10  }
0x38: {  	s10 =	sld [smem:$0x3FBB]  }
0x39: {  	_ = 	snop;
	(pc) =	sbr.ind lr, $3  }
0x3a: {  	_ = 	snop  }
0x3b: {  	_ = 	snop  }
0x3c: {  	p2 =	seq.s32 s10, $0x1;
	s10 =	sld [smem:$0x3FBA]  }
0x3d: {  	_ =	shalt  }
0x3e: {  	_ =	shalt  }
0x3f: {  	_ =	shalt  }
0x40: {  	_ =	shalt  }
0x41: {  	_ =	shalt  }
0x42: {  	_ =	shalt  }
0x43: {  	_ =	shalt  }
0x44: {  	_ =	shalt  }
0x45: {  	_ =	shalt  }
0x46: {  	_ =	shalt  }
0x47: {  	_ =	shalt  }
0x48: {  	_ =	shalt  }
0x49: {  	_ =	shalt  }
0x4a: {  	_ =	shalt  }
0x4b: {  	_ =	shalt  }
0x4c: {  	_ =	shalt  }
0x4d: {  	_ =	shalt  }
0x4e: {  	_ =	shalt  }
0x4f: {  	_ =	shalt  }
0x50: {  	_ =	shalt  }
0x51: {  	_ =	shalt  }
0x52: {  	_ =	shalt  }
0x53: {  	_ =	shalt  }
0x54: {  	_ =	shalt  }
0x55: {  	_ =	shalt  }
0x56: {  	_ =	shalt  }
0x57: {  	_ =	shalt  }
0x58: {  	_ =	shalt  }
0x59: {  	_ =	shalt  }
0x5a: {  	_ =	shalt  }
0x5b: {  	_ =	shalt  }
0x5c: {  	_ =	shalt  }
0x5d: {  	_ =	shalt  }
0x5e: {  	_ =	shalt  }
0x5f: {  	_ =	shalt  }
0x60: {  	_ =	shalt  }
0x61: {  	_ =	shalt  }
0x62: {  	_ =	shalt  }
0x63: {  	_ =	shalt  }
0x64: {  	_ =	shalt  }
0x65: {  	_ =	shalt  }
0x66: {  	_ =	shalt  }
0x67: {  	_ =	shalt  }
0x68: {  	_ =	shalt  }
0x69: {  	_ =	shalt  }
0x6a: {  	_ =	shalt  }
0x6b: {  	_ =	shalt  }
0x6c: {  	_ =	shalt  }
0x6d: {  	_ =	shalt  }
0x6e: {  	_ =	shalt  }
0x6f: {  	_ =	shalt  }
0x70: {  	_ =	shalt  }
0x71: {  	_ =	shalt  }
0x72: {  	_ =	shalt  }
0x73: {  	_ =	shalt  }
0x74: {  	_ =	shalt  }
0x75: {  	_ =	shalt  }
0x76: {  	_ =	shalt  }
0x77: {  	_ =	shalt  }
0x78: {  	_ =	shalt  }
0x79: {  	_ =	shalt  }
0x7a: {  	_ =	shalt  }
0x7b: {  	_ =	shalt  }
0x7c: {  	_ =	shalt  }
0x7d: {  	_ =	shalt  }
0x7e: {  	_ =	shalt  }
0x7f: {  	_ =	shalt  }
0x80: {  	_ =	shalt  }
0x81: {  	_ =	shalt  }
0x82: {  	_ =	shalt  }
0x83: {  	_ =	shalt  }
0x84: {  	_ =	shalt  }
0x85: {  	_ =	shalt  }
0x86: {  	_ =	shalt  }
0x87: {  	_ =	shalt  }
.Lfunc_end0:
.L_simem_size_0:
called_computation_lowered:
.L_overlay_start_0:
0x88: {  	s2 =	sld [smem:$0x3FD9]  }
0x89: {  	s3 =	sld [smem:$0x3FFE];
	_ =	sdelay $0x1  }
0x8a: {  	s1 =	srdreg.scid  }
0x8b: {  	s0 =	sand.u32 $0x1, s1  }
0x8c: {  	s18 =	sshll.u32 s0, $0xA;
	s2 =	sadd.s32 s3, s2  }
0x8d: {  	s2 =	sadd.s32 s2, s18  }
0x8e: {  	[smem:$0x3FC6] =	sst s2  }
0x8f: {  	_ = 	snop  }
0x90: {  	s2 =	sld [smem:$0x3FC9]  }
0x91: {  	s19 =	sld [smem:$0x3FC8]  }
0x92: {  	s4 =	sld [smem:$0x3FD0];
	(tm) =	ssettm $0x1  }
0x93: {  	s5 =	sld [smem:$0x3FFB];
	_ =	sdelay $0x3  }
0x94: {  	_ =	strace s5  }
0x95: {  	s5 =	sld [smem:$0x3FFC];
	_ =	sdelay $0x3  }
0x96: {  	_ =	strace s5  }
0x97: {  	s5 =	sld [smem:$0x3FFD];
	_ =	sdelay $0x3  }
0x98: {  	_ =	strace s5  }
0x99: {  	_ =	strace $0x8FFFFFFF  }
0x9a: {  	s20 =	sld [smem:$0x3FDB];
	_ =	sdelay $0x1  }
0x9b: {  	s6 =	simm.s32 $_scs_section_size  }
0x9c: {  	s7 =	simm.s32 $_size__tile_overlayer_lowered;
	s8 =	simm.s32 $_tile_overlayer_lowered  }
0x9d: {  	s23 =	simm.s32 $0x1BFF;
	s22 =	sshll.u32 s8, $0x1;
	s5 =	sadd.s32 s6, s20  }
0x9e: {  	s9 =	simm.s32 $0x0;
	s21 =	sshll.u32 s7, $0x1;
	s7 =	sadd.s32 s22, s5  }
0x9f: {  	[timem:s9], [sflag:s23] =	dma.local [hbm:s7], s21  }
0xa0: {  	_ =	swait.ge [sflag:s23], s21  }
0xa1: {  	s6 =	ssub.s32 $0x0, s21;
	[sflag:s23] =	ssyncset.done $0x0  }
0xa2: {  	[sflag:s23] =	ssyncadd.s32 s6;
	_ =	sdelay $0x1  }
0xa3: {  	s24 =	simm.s32 $0x1B8B  }
0xa4: {  	_ =	swait.ge [sflag:s24], $0x1  }
0xa5: {  	[sflag:s24] =	ssyncset.done $0x0  }
0xa6: {  	s25 =	simm.s32 $0x1B8E;
	[sflag:s24] =	ssyncadd.s32 $0xFFFFFFFF  }
0xa7: {  	s26 =	simm.s32 $execute0_lowered;
	[smem:$0x3FD2] =	sst s25  }
0xa8: {  	s6 =	sshll.u32 s26, $0x1;
	_ =	strace $0x80000046;
	[dreg:$0x1] =	wrdreg $0xFFFFFFFF  }
0xa9: {  	s28 =	simm.s32 $_size_execute0_lowered;
	s5 =	sadd.s32 s5, s6;
	[dreg:$0x0] =	wrdreg $0x0  }
0xaa: {  	s6 =	sshll.u32 s28, $0x1;
	[dreg:$0x2] =	wrdreg s5  }
0xab: {  	[dreg:$0x3] =	wrdreg s6  }
0xac: {  	[dreg:$0x4] =	wrdreg $0xC0  }
0xad: {  	_ =	task [dreg:s9], $0x5FFFF  }
0xae: {  	[dreg:$0x1] =	wrdreg $0xFFFFFFFF  }
0xaf: {  	[dreg:$0x0] =	wrdreg $0x60  }
0xb0: {  	[dreg:$0x2] =	wrdreg s2  }
0xb1: {  	[dreg:$0x3] =	wrdreg s19  }
0xb2: {  	[dreg:$0x4] =	wrdreg s4  }
0xb3: {  	[dreg:$0x5] =	wrdreg $0x9  }
0xb4: {  	_ =	task.clear_ibuf [dreg:s9], $0x6FFFF;
	_ =	strace $0x90000046  }
0xb5: {  	s29 =	simm.s32 $0x9;
	_ =	strace $0x80000048  }
0xb6: {  	_ =	swait.ge [sflag:s29], $0x1  }
0xb7: {  	[sflag:s29] =	ssyncadd.s32 $0xFFFFFFFF  }
0xb8: {  	_ =	strace $0x90000048  }
0xb9: {  	_ =	sfence  }
0xba: {  	s30 =	sld [smem:$0x0];
	_ =	sdelay $0x2  }
0xbb: {  	s31 =	sshll.u32 s1, $0xD;
	s1 =	sshrl.u32 s1, $0x2  }
0xbc: {  	s3 =	sand.u32 $0x4000, s31;
	s1 =	sadd.s32 s1, s30  }
0xbd: {  	s0 =	sor.u32 s3, s0;
	s1 =	sshll.u32 s1, $0x11  }
0xbe: {  	s0 =	sor.u32 s1, s0  }
0xbf: {  	s0 =	sadd.s32 $0x8F2B, s0  }
0xc0: {  	[sflag:s0] =	ssyncadd.remote.s32 $0x1  }
0xc1: {  	_ =	sfence.sel $0xFFFF  }
0xc2: {  	[dreg:$0x0] =	wrdreg $0xFFFFFFFF;
	(pc) =	sbr.abs _section_cstart, $3  }
0xc3: {  	[dreg:$0x1] =	wrdreg $0xFFFFFFFF  }
0xc4: {  	_ =	task.clear_ibuf [dreg:s9], $0x2FFFF;
	_ =	strace $0x9FFFFFFF  }
0xc5: {  	(tm) =	ssettm $0x7FFFFFFF  }
tec
execute0_lowered:
.L_overlay_start_1:
0x0: {  	(tag) =	ssettag $0x1  }
0x1: {  	s1 =	rddreg [dreg:$0x0]  }
0x2: {  	s7 =	rddreg [dreg:$0x1]  }
0x3: {  	s8 =	rddreg [dreg:$0x2];
	s2 =	srdreg.scid  }
0x4: {  	s0 =	rddreg [dreg:$0x3];
	s3 =	simm.s32 $0x0;
	s14 =	simm.s32 $0x1  }
0x5: {  	s15 =	simm.s32 $0x1C700;
	s16 =	simm.s32 $0x2;
	s17 =	simm.s32 $0x0  }
0x6: {  	s4 =	sand.u32 $0x1, s2;
	[smem:$0x7FF] =	sst s3;
	s2 =	stileid.u32  }
0x7: {  	s31 =	sadd.s32 $0x2000, s8;
	s5 =	ssub.s32 $0x2, s4;
	s9 =	sshrl.u32 s2, $0x2  }
0x8: {  	s10 =	sshll.u32 s2, $0x8;
	s4 =	sshll.u32 s4, $0x7;
	_ =	strace $0x80000047  }
0x9: {  	s6 =	sshrl.u32 s5, $0x1;
	s10 =	sand.u32 $0x300, s10;
	s11 =	smul.u32 $0xC3800, s9  }
0xa: {  	s28 =	sshll.u32 s9, $0x11;
	s9 =	sor.u32 $0x4, s9;
	s12 =	ssub.s32 s5, s6  }
0xb: {  	s26 =	sor.u32 s4, s10;
	s29 =	smul.u32 $0xC3800, s9;
	s9 =	sshll.u32 s9, $0x11  }
0xc: {  	s4 =	sor.u32 s11, s26;
	s5 =	sor.u32 s28, s26;
	s6 =	sor.u32 s26, s9  }
0xd: {  	s11 =	simm.s32 $0x18700;
	s4 =	sshrl.u32 s4, $0x3;
	s30 =	sshrl.u32 s5, $0x3  }
0xe: {  	s10 =	sor.u32 s26, s29;
	s13 =	sshrl.u32 s6, $0x3;
	s4 =	sadd.s32 s7, s4  }
0xf: {  	s5 =	sadd.s32 s8, s30;
	s10 =	sshrl.u32 s10, $0x3;
	s6 =	sadd.s32 s30, s31  }
0x10: {  	s8 =	sadd.s32 s8, s13;
	s9 =	sadd.s32 s13, s31;
	s13 =	simm.s32 $0x400  }
0x11: {  	s7 =	sadd.s32 s7, s10;
	s10 =	smax.u32 s12, $0x1;
	s12 =	simm.s32 $0x80  }
.LBB2_1:
0x12: {  	[tilespmem:s11], [sflag:$0x1] =	stream.linear.gather [hbm4b:s1+s3], $0x4000, $0x38;
	[tilespmem:$0x1E700] =	vst v63  }
0x13: {  	_ = 	snop  }
0x14: {  	[tilespmem:s3], [sflag:$0x1] =	stream.strided.gather [hbm4b:s4+s12], $0x18700, s13, s12, $0x38;
	[tilespmem:$0x1E700] =	vst v63  }
0x15: {  	_ =	swait.ge [sflag:s14], $0x4000  }
0x16: {  	[sflag:s14] =	ssyncset.done $0x0  }
0x17: {  	[sflag:s14] =	ssyncadd.s32 $0xFFFFC000  }
0x18: {  	_ =	swait.ge [sflag:s14], $0x18700  }
0x19: {  	[sflag:s14] =	ssyncset.done $0x0  }
0x1a: {  	s18 =	simm.s32 $0x18780;
	[sflag:s14] =	ssyncadd.s32 $0xFFFE7900  }
0x1b: {  	v0 =	vld [tilespmem:s18+$0x70]  }
0x1c: {  	v1 =	vld [tilespmem:s18+$0xFFFFFF90]  }
0x1d: {  	v2 =	vld [tilespmem:s18+$0xFFFFFFA0]  }
0x1e: {  	v3 =	vld [tilespmem:s18+$0xFFFFFFB0]  }
0x1f: {  	v4 =	vld [tilespmem:s18+$0xFFFFFFC0]  }
0x20: {  	v5 =	vld [tilespmem:s18+$0xFFFFFFD0]  }
0x21: {  	v6 =	vld [tilespmem:s18+$0xFFFFFFE0]  }
0x22: {  	v7 =	vld [tilespmem:s18+$0xFFFFFFF0]  }
0x23: {  	v8 =	vld [tilespmem:s18+$0x0]  }
0x24: {  	v9 =	vld [tilespmem:s18+$0x10]  }
0x25: {  	v10 =	vld [tilespmem:s18+$0x20]  }
0x26: {  	v11 =	vld [tilespmem:s18+$0x30]  }
0x27: {  	v12 =	vld [tilespmem:s18+$0x40]  }
0x28: {  	v13 =	vld [tilespmem:s18+$0x50]  }
0x29: {  	v14 =	vld [tilespmem:s18+$0x60]  }
0x2a: {  	v15 =	vld [tilespmem:s18+$0xFFFFFF80]  }
0x2b: {  	v0 =	vld.idx.msk [tilespmem:v0+s3+$0x0], $0xffff  }
0x2c: {  	v1 =	vld.idx.msk [tilespmem:v1+s3+$0x0], $0xffff  }
0x2d: {  	v2 =	vld.idx.msk [tilespmem:v2+s3+$0x0], $0xffff  }
0x2e: {  	v3 =	vld.idx.msk [tilespmem:v3+s3+$0x0], $0xffff  }
0x2f: {  	v4 =	vld.idx.msk [tilespmem:v4+s3+$0x0], $0xffff  }
0x30: {  	s18 =	simm.s32 $0x1C780;
	v5 =	vld.idx.msk [tilespmem:v5+s3+$0x0], $0xffff  }
0x31: {  	v6 =	vld.idx.msk [tilespmem:v6+s3+$0x0], $0xffff;
	[tilespmem:s18+$0x70] =	vst v0  }
0x32: {  	v7 =	vld.idx.msk [tilespmem:v7+s3+$0x0], $0xffff;
	[tilespmem:s18+$0xFFFFFF90] =	vst v1  }
0x33: {  	v15 =	vld.idx.msk [tilespmem:v15+s3+$0x0], $0xffff;
	[tilespmem:s18+$0xFFFFFFA0] =	vst v2  }
0x34: {  	v8 =	vld.idx.msk [tilespmem:v8+s3+$0x0], $0xffff;
	[tilespmem:s18+$0xFFFFFFB0] =	vst v3  }
0x35: {  	[tilespmem:s18+$0xFFFFFFC0] =	vst v4;
	v0 =	vld.idx.msk [tilespmem:v9+s3+$0x0], $0xffff  }
0x36: {  	[tilespmem:s18+$0xFFFFFFD0] =	vst v5;
	v1 =	vld.idx.msk [tilespmem:v10+s3+$0x0], $0xffff  }
0x37: {  	[tilespmem:s18+$0xFFFFFFE0] =	vst v6;
	v2 =	vld.idx.msk [tilespmem:v11+s3+$0x0], $0xffff  }
0x38: {  	[tilespmem:s18+$0xFFFFFFF0] =	vst v7;
	v3 =	vld.idx.msk [tilespmem:v12+s3+$0x0], $0xffff  }
0x39: {  	[tilespmem:s18+$0xFFFFFF80] =	vst v15;
	v4 =	vld.idx.msk [tilespmem:v13+s3+$0x0], $0xffff  }
0x3a: {  	s19 =	simm.s32 $0x0;
	s20 =	simm.s32 $0x18880;
	[tilespmem:s18+$0x0] =	vst v8;
	v5 =	vld.idx.msk [tilespmem:v14+s3+$0x0], $0xffff  }
.LBB2_2:
0x3b: {  	v6 =	vld [tilespmem:s20+$0x70];
	s19 =	sadd.s32 $0x10, s19;
	[tilespmem:s18+$0x10] =	vst v0  }
0x3c: {  	v0 =	vld [tilespmem:s20+$0xFFFFFF90];
	p0 =	slt.u32 s19, $0x1F0;
	[tilespmem:s18+$0x20] =	vst v1  }
0x3d: {  	v1 =	vld [tilespmem:s20+$0xFFFFFFA0];
	[tilespmem:s18+$0x30] =	vst v2  }
0x3e: {  	v2 =	vld [tilespmem:s20+$0xFFFFFFB0];
	[tilespmem:s18+$0x40] =	vst v3  }
0x3f: {  	v3 =	vld [tilespmem:s20+$0xFFFFFFC0];
	[tilespmem:s18+$0x50] =	vst v4  }
0x40: {  	v4 =	vld [tilespmem:s20+$0xFFFFFFD0];
	[tilespmem:s18+$0x60] =	vst v5  }
0x41: {  	v5 =	vld [tilespmem:s20+$0xFFFFFFE0]  }
0x42: {  	v7 =	vld [tilespmem:s20+$0xFFFFFFF0]  }
0x43: {  	v6 =	vld.idx.msk [tilespmem:v6+s3+$0x0], $0xffff  }
0x44: {  	v8 =	vld [tilespmem:s20+$0x0]  }
0x45: {  	v9 =	vld [tilespmem:s20+$0x10]  }
0x46: {  	v10 =	vld [tilespmem:s20+$0x20]  }
0x47: {  	v11 =	vld [tilespmem:s20+$0x30]  }
0x48: {  	s18 =	sadd.s32 $0x100, s18;
	v12 =	vld [tilespmem:s20+$0x40]  }
0x49: {  	v13 =	vld [tilespmem:s20+$0x50];
	[tilespmem:s18+$0x70] =	vst v6  }
0x4a: {  	v6 =	vld [tilespmem:s20+$0x60]  }
0x4b: {  	v14 =	vld [tilespmem:s20+$0xFFFFFF80]  }
0x4c: {  	v0 =	vld.idx.msk [tilespmem:v0+s3+$0x0], $0xffff  }
0x4d: {  	v1 =	vld.idx.msk [tilespmem:v1+s3+$0x0], $0xffff  }
0x4e: {  	v2 =	vld.idx.msk [tilespmem:v2+s3+$0x0], $0xffff  }
0x4f: {  	v3 =	vld.idx.msk [tilespmem:v3+s3+$0x0], $0xffff  }
0x50: {  	v4 =	vld.idx.msk [tilespmem:v4+s3+$0x0], $0xffff  }
0x51: {  	v5 =	vld.idx.msk [tilespmem:v5+s3+$0x0], $0xffff  }
0x52: {  	[tilespmem:s18+$0xFFFFFF90] =	vst v0;
	v7 =	vld.idx.msk [tilespmem:v7+s3+$0x0], $0xffff  }
0x53: {  	v14 =	vld.idx.msk [tilespmem:v14+s3+$0x0], $0xffff;
	[tilespmem:s18+$0xFFFFFFA0] =	vst v1  }
0x54: {  	[tilespmem:s18+$0xFFFFFFB0] =	vst v2;
	v8 =	vld.idx.msk [tilespmem:v8+s3+$0x0], $0xffff  }
0x55: {  	[tilespmem:s18+$0xFFFFFFC0] =	vst v3;
	v0 =	vld.idx.msk [tilespmem:v9+s3+$0x0], $0xffff  }
.Ltmp0:
0x56: {  	[tilespmem:s18+$0xFFFFFFD0] =	vst v4;
	v1 =	vld.idx.msk [tilespmem:v10+s3+$0x0], $0xffff;
	(pc) =	sbr.rel @p0 .LBB2_2-.Ltmp0, $4  }
0x57: {  	[tilespmem:s18+$0xFFFFFFE0] =	vst v5;
	v2 =	vld.idx.msk [tilespmem:v11+s3+$0x0], $0xffff  }
0x58: {  	[tilespmem:s18+$0xFFFFFFF0] =	vst v7;
	v3 =	vld.idx.msk [tilespmem:v12+s3+$0x0], $0xffff  }
0x59: {  	[tilespmem:s18+$0xFFFFFF80] =	vst v14;
	v4 =	vld.idx.msk [tilespmem:v13+s3+$0x0], $0xffff  }
0x5a: {  	s20 =	sadd.s32 $0x100, s20;
	[tilespmem:s18+$0x0] =	vst v8;
	v5 =	vld.idx.msk [tilespmem:v6+s3+$0x0], $0xffff  }
0x5b: {  	[tilespmem:s18+$0x10] =	vst v0  }
0x5c: {  	[tilespmem:s18+$0x20] =	vst v1  }
0x5d: {  	[tilespmem:s18+$0x30] =	vst v2  }
0x5e: {  	[tilespmem:s18+$0x40] =	vst v3  }
0x5f: {  	[tilespmem:s18+$0x50] =	vst v4  }
0x60: {  	[tilespmem:s18+$0x60] =	vst v5  }
0x61: {  	[hbm4b:s5+s12] =	stream.strided.scatter [tilespmem:s15], [sflag:$0x2], $0x2000, s13, s12, $0x38;
	[tilespmem:$0x1E700] =	vst v63  }
0x62: {  	_ =	swait.ge [sflag:s16], $0x2000  }
0x63: {  	[sflag:s16] =	ssyncset.done $0x0  }
0x64: {  	s31 =	simm.s32 $0x1A7F0;
	[sflag:s16] =	ssyncadd.s32 $0xFFFFE000  }
0x65: {  	v0 =	vld [tilespmem:s31+$0x0]  }
0x66: {  	v1 =	vld [tilespmem:s31+$0xFFFFFF20]  }
0x67: {  	v2 =	vld [tilespmem:s31+$0xFFFFFF30]  }
0x68: {  	v3 =	vld [tilespmem:s31+$0xFFFFFF40]  }
0x69: {  	v4 =	vld [tilespmem:s31+$0xFFFFFF50]  }
0x6a: {  	v5 =	vld [tilespmem:s31+$0xFFFFFF60]  }
0x6b: {  	v6 =	vld [tilespmem:s31+$0xFFFFFF70]  }
0x6c: {  	v7 =	vld [tilespmem:s31+$0xFFFFFF80]  }
0x6d: {  	v8 =	vld [tilespmem:s31+$0xFFFFFF90]  }
0x6e: {  	v9 =	vld [tilespmem:s31+$0xFFFFFFA0]  }
0x6f: {  	v10 =	vld [tilespmem:s31+$0xFFFFFFB0]  }
0x70: {  	v11 =	vld [tilespmem:s31+$0xFFFFFFC0]  }
0x71: {  	v12 =	vld [tilespmem:s31+$0xFFFFFFD0]  }
0x72: {  	v13 =	vld [tilespmem:s31+$0xFFFFFFE0]  }
0x73: {  	v14 =	vld [tilespmem:s31+$0xFFFFFFF0]  }
0x74: {  	v15 =	vld [tilespmem:s31+$0xFFFFFF10]  }
0x75: {  	v0 =	vld.idx.msk [tilespmem:v0+s3+$0x0], $0xffff  }
0x76: {  	v1 =	vld.idx.msk [tilespmem:v1+s3+$0x0], $0xffff  }
0x77: {  	v2 =	vld.idx.msk [tilespmem:v2+s3+$0x0], $0xffff  }
0x78: {  	v3 =	vld.idx.msk [tilespmem:v3+s3+$0x0], $0xffff  }
0x79: {  	v4 =	vld.idx.msk [tilespmem:v4+s3+$0x0], $0xffff  }
0x7a: {  	s18 =	simm.s32 $0x1C780;
	v5 =	vld.idx.msk [tilespmem:v5+s3+$0x0], $0xffff  }
0x7b: {  	v6 =	vld.idx.msk [tilespmem:v6+s3+$0x0], $0xffff;
	[tilespmem:s18+$0x70] =	vst v0  }
0x7c: {  	v7 =	vld.idx.msk [tilespmem:v7+s3+$0x0], $0xffff;
	[tilespmem:s18+$0xFFFFFF90] =	vst v1  }
0x7d: {  	v15 =	vld.idx.msk [tilespmem:v15+s3+$0x0], $0xffff;
	[tilespmem:s18+$0xFFFFFFA0] =	vst v2  }
0x7e: {  	v8 =	vld.idx.msk [tilespmem:v8+s3+$0x0], $0xffff;
	[tilespmem:s18+$0xFFFFFFB0] =	vst v3  }
0x7f: {  	[tilespmem:s18+$0xFFFFFFC0] =	vst v4;
	v0 =	vld.idx.msk [tilespmem:v9+s3+$0x0], $0xffff  }
0x80: {  	[tilespmem:s18+$0xFFFFFFD0] =	vst v5;
	v1 =	vld.idx.msk [tilespmem:v10+s3+$0x0], $0xffff  }
0x81: {  	[tilespmem:s18+$0xFFFFFFE0] =	vst v6;
	v2 =	vld.idx.msk [tilespmem:v11+s3+$0x0], $0xffff  }
0x82: {  	[tilespmem:s18+$0xFFFFFFF0] =	vst v7;
	v3 =	vld.idx.msk [tilespmem:v12+s3+$0x0], $0xffff  }
0x83: {  	[tilespmem:s18+$0xFFFFFF80] =	vst v15;
	v4 =	vld.idx.msk [tilespmem:v13+s3+$0x0], $0xffff  }
0x84: {  	s19 =	simm.s32 $0x0;
	s20 =	simm.s32 $0x1A8F0;
	[tilespmem:s18+$0x0] =	vst v8;
	v5 =	vld.idx.msk [tilespmem:v14+s3+$0x0], $0xffff  }
.LBB2_4:
0x85: {  	v6 =	vld [tilespmem:s20+$0x0];
	s19 =	sadd.s32 $0x10, s19;
	[tilespmem:s18+$0x10] =	vst v0  }
0x86: {  	v0 =	vld [tilespmem:s20+$0xFFFFFF20];
	p0 =	slt.u32 s19, $0x1F0;
	[tilespmem:s18+$0x20] =	vst v1  }
0x87: {  	v1 =	vld [tilespmem:s20+$0xFFFFFF30];
	[tilespmem:s18+$0x30] =	vst v2  }
0x88: {  	v2 =	vld [tilespmem:s20+$0xFFFFFF40];
	[tilespmem:s18+$0x40] =	vst v3  }
0x89: {  	v3 =	vld [tilespmem:s20+$0xFFFFFF50];
	[tilespmem:s18+$0x50] =	vst v4  }
0x8a: {  	v4 =	vld [tilespmem:s20+$0xFFFFFF60];
	[tilespmem:s18+$0x60] =	vst v5  }
0x8b: {  	v5 =	vld [tilespmem:s20+$0xFFFFFF70]  }
0x8c: {  	v7 =	vld [tilespmem:s20+$0xFFFFFF80]  }
0x8d: {  	v6 =	vld.idx.msk [tilespmem:v6+s3+$0x0], $0xffff  }
0x8e: {  	v8 =	vld [tilespmem:s20+$0xFFFFFF90]  }
0x8f: {  	v9 =	vld [tilespmem:s20+$0xFFFFFFA0]  }
0x90: {  	v10 =	vld [tilespmem:s20+$0xFFFFFFB0]  }
0x91: {  	v11 =	vld [tilespmem:s20+$0xFFFFFFC0]  }
0x92: {  	s18 =	sadd.s32 $0x100, s18;
	v12 =	vld [tilespmem:s20+$0xFFFFFFD0]  }
0x93: {  	v13 =	vld [tilespmem:s20+$0xFFFFFFE0];
	[tilespmem:s18+$0x70] =	vst v6  }
0x94: {  	v6 =	vld [tilespmem:s20+$0xFFFFFFF0]  }
0x95: {  	v14 =	vld [tilespmem:s20+$0xFFFFFF10]  }
0x96: {  	v0 =	vld.idx.msk [tilespmem:v0+s3+$0x0], $0xffff  }
0x97: {  	v1 =	vld.idx.msk [tilespmem:v1+s3+$0x0], $0xffff  }
0x98: {  	v2 =	vld.idx.msk [tilespmem:v2+s3+$0x0], $0xffff  }
0x99: {  	v3 =	vld.idx.msk [tilespmem:v3+s3+$0x0], $0xffff  }
0x9a: {  	v4 =	vld.idx.msk [tilespmem:v4+s3+$0x0], $0xffff  }
0x9b: {  	v5 =	vld.idx.msk [tilespmem:v5+s3+$0x0], $0xffff  }
0x9c: {  	[tilespmem:s18+$0xFFFFFF90] =	vst v0;
	v7 =	vld.idx.msk [tilespmem:v7+s3+$0x0], $0xffff  }
0x9d: {  	v14 =	vld.idx.msk [tilespmem:v14+s3+$0x0], $0xffff;
	[tilespmem:s18+$0xFFFFFFA0] =	vst v1  }
0x9e: {  	[tilespmem:s18+$0xFFFFFFB0] =	vst v2;
	v8 =	vld.idx.msk [tilespmem:v8+s3+$0x0], $0xffff  }
0x9f: {  	[tilespmem:s18+$0xFFFFFFC0] =	vst v3;
	v0 =	vld.idx.msk [tilespmem:v9+s3+$0x0], $0xffff  }
.Ltmp1:
0xa0: {  	[tilespmem:s18+$0xFFFFFFD0] =	vst v4;
	v1 =	vld.idx.msk [tilespmem:v10+s3+$0x0], $0xffff;
	(pc) =	sbr.rel @p0 .LBB2_4-.Ltmp1, $4  }
0xa1: {  	[tilespmem:s18+$0xFFFFFFE0] =	vst v5;
	v2 =	vld.idx.msk [tilespmem:v11+s3+$0x0], $0xffff  }
0xa2: {  	[tilespmem:s18+$0xFFFFFFF0] =	vst v7;
	v3 =	vld.idx.msk [tilespmem:v12+s3+$0x0], $0xffff  }
0xa3: {  	[tilespmem:s18+$0xFFFFFF80] =	vst v14;
	v4 =	vld.idx.msk [tilespmem:v13+s3+$0x0], $0xffff  }
0xa4: {  	s20 =	sadd.s32 $0x100, s20;
	[tilespmem:s18+$0x0] =	vst v8;
	v5 =	vld.idx.msk [tilespmem:v6+s3+$0x0], $0xffff  }
0xa5: {  	[tilespmem:s18+$0x10] =	vst v0  }
0xa6: {  	[tilespmem:s18+$0x20] =	vst v1  }
0xa7: {  	[tilespmem:s18+$0x30] =	vst v2  }
0xa8: {  	[tilespmem:s18+$0x40] =	vst v3  }
0xa9: {  	[tilespmem:s18+$0x50] =	vst v4  }
0xaa: {  	[tilespmem:s18+$0x60] =	vst v5  }
0xab: {  	[hbm4b:s6+s12] =	stream.strided.scatter [tilespmem:s15], [sflag:$0x2], $0x2000, s13, s12, $0x38;
	[tilespmem:$0x1E700] =	vst v63  }
0xac: {  	_ = 	snop  }
0xad: {  	[tilespmem:s3], [sflag:$0x1] =	stream.strided.gather [hbm4b:s7+s12], $0x18700, s13, s12, $0x38;
	[tilespmem:$0x1E700] =	vst v63  }
0xae: {  	_ =	swait.ge [sflag:s16], $0x2000  }
0xaf: {  	[sflag:s16] =	ssyncset.done $0x0  }
0xb0: {  	[sflag:s16] =	ssyncadd.s32 $0xFFFFE000  }
0xb1: {  	_ =	swait.ge [sflag:s14], $0x18700  }
0xb2: {  	[sflag:s14] =	ssyncset.done $0x0  }
0xb3: {  	s31 =	simm.s32 $0x18780;
	[sflag:s14] =	ssyncadd.s32 $0xFFFE7900  }
0xb4: {  	v0 =	vld [tilespmem:s31+$0x70]  }
0xb5: {  	v1 =	vld [tilespmem:s31+$0xFFFFFF90]  }
0xb6: {  	v2 =	vld [tilespmem:s31+$0xFFFFFFA0]  }
0xb7: {  	v3 =	vld [tilespmem:s31+$0xFFFFFFB0]  }
0xb8: {  	v4 =	vld [tilespmem:s31+$0xFFFFFFC0]  }
0xb9: {  	v5 =	vld [tilespmem:s31+$0xFFFFFFD0]  }
0xba: {  	v6 =	vld [tilespmem:s31+$0xFFFFFFE0]  }
0xbb: {  	v7 =	vld [tilespmem:s31+$0xFFFFFFF0]  }
0xbc: {  	v8 =	vld [tilespmem:s31+$0x0]  }
0xbd: {  	v9 =	vld [tilespmem:s31+$0x10]  }
0xbe: {  	v10 =	vld [tilespmem:s31+$0x20]  }
0xbf: {  	v11 =	vld [tilespmem:s31+$0x30]  }
0xc0: {  	v12 =	vld [tilespmem:s31+$0x40]  }
0xc1: {  	v13 =	vld [tilespmem:s31+$0x50]  }
0xc2: {  	v14 =	vld [tilespmem:s31+$0x60]  }
0xc3: {  	v15 =	vld [tilespmem:s31+$0xFFFFFF80]  }
0xc4: {  	v0 =	vld.idx.msk [tilespmem:v0+s3+$0x0], $0xffff  }
0xc5: {  	v1 =	vld.idx.msk [tilespmem:v1+s3+$0x0], $0xffff  }
0xc6: {  	v2 =	vld.idx.msk [tilespmem:v2+s3+$0x0], $0xffff  }
0xc7: {  	v3 =	vld.idx.msk [tilespmem:v3+s3+$0x0], $0xffff  }
0xc8: {  	v4 =	vld.idx.msk [tilespmem:v4+s3+$0x0], $0xffff  }
0xc9: {  	s18 =	simm.s32 $0x1C780;
	v5 =	vld.idx.msk [tilespmem:v5+s3+$0x0], $0xffff  }
0xca: {  	v6 =	vld.idx.msk [tilespmem:v6+s3+$0x0], $0xffff;
	[tilespmem:s18+$0x70] =	vst v0  }
0xcb: {  	v7 =	vld.idx.msk [tilespmem:v7+s3+$0x0], $0xffff;
	[tilespmem:s18+$0xFFFFFF90] =	vst v1  }
0xcc: {  	v15 =	vld.idx.msk [tilespmem:v15+s3+$0x0], $0xffff;
	[tilespmem:s18+$0xFFFFFFA0] =	vst v2  }
0xcd: {  	v8 =	vld.idx.msk [tilespmem:v8+s3+$0x0], $0xffff;
	[tilespmem:s18+$0xFFFFFFB0] =	vst v3  }
0xce: {  	[tilespmem:s18+$0xFFFFFFC0] =	vst v4;
	v0 =	vld.idx.msk [tilespmem:v9+s3+$0x0], $0xffff  }
0xcf: {  	[tilespmem:s18+$0xFFFFFFD0] =	vst v5;
	v1 =	vld.idx.msk [tilespmem:v10+s3+$0x0], $0xffff  }
0xd0: {  	[tilespmem:s18+$0xFFFFFFE0] =	vst v6;
	v2 =	vld.idx.msk [tilespmem:v11+s3+$0x0], $0xffff  }
0xd1: {  	[tilespmem:s18+$0xFFFFFFF0] =	vst v7;
	v3 =	vld.idx.msk [tilespmem:v12+s3+$0x0], $0xffff  }
0xd2: {  	[tilespmem:s18+$0xFFFFFF80] =	vst v15;
	v4 =	vld.idx.msk [tilespmem:v13+s3+$0x0], $0xffff  }
0xd3: {  	s19 =	simm.s32 $0x0;
	s20 =	simm.s32 $0x18880;
	[tilespmem:s18+$0x0] =	vst v8;
	v5 =	vld.idx.msk [tilespmem:v14+s3+$0x0], $0xffff  }
.LBB2_6:
0xd4: {  	v6 =	vld [tilespmem:s20+$0x70];
	s19 =	sadd.s32 $0x10, s19;
	[tilespmem:s18+$0x10] =	vst v0  }
0xd5: {  	v0 =	vld [tilespmem:s20+$0xFFFFFF90];
	p0 =	slt.u32 s19, $0x1F0;
	[tilespmem:s18+$0x20] =	vst v1  }
0xd6: {  	v1 =	vld [tilespmem:s20+$0xFFFFFFA0];
	[tilespmem:s18+$0x30] =	vst v2  }
0xd7: {  	v2 =	vld [tilespmem:s20+$0xFFFFFFB0];
	[tilespmem:s18+$0x40] =	vst v3  }
0xd8: {  	v3 =	vld [tilespmem:s20+$0xFFFFFFC0];
	[tilespmem:s18+$0x50] =	vst v4  }
0xd9: {  	v4 =	vld [tilespmem:s20+$0xFFFFFFD0];
	[tilespmem:s18+$0x60] =	vst v5  }
0xda: {  	v5 =	vld [tilespmem:s20+$0xFFFFFFE0]  }
0xdb: {  	v7 =	vld [tilespmem:s20+$0xFFFFFFF0]  }
0xdc: {  	v6 =	vld.idx.msk [tilespmem:v6+s3+$0x0], $0xffff  }
0xdd: {  	v8 =	vld [tilespmem:s20+$0x0]  }
0xde: {  	v9 =	vld [tilespmem:s20+$0x10]  }
0xdf: {  	v10 =	vld [tilespmem:s20+$0x20]  }
0xe0: {  	v11 =	vld [tilespmem:s20+$0x30]  }
0xe1: {  	s18 =	sadd.s32 $0x100, s18;
	v12 =	vld [tilespmem:s20+$0x40]  }
0xe2: {  	v13 =	vld [tilespmem:s20+$0x50];
	[tilespmem:s18+$0x70] =	vst v6  }
0xe3: {  	v6 =	vld [tilespmem:s20+$0x60]  }
0xe4: {  	v14 =	vld [tilespmem:s20+$0xFFFFFF80]  }
0xe5: {  	v0 =	vld.idx.msk [tilespmem:v0+s3+$0x0], $0xffff  }
0xe6: {  	v1 =	vld.idx.msk [tilespmem:v1+s3+$0x0], $0xffff  }
0xe7: {  	v2 =	vld.idx.msk [tilespmem:v2+s3+$0x0], $0xffff  }
0xe8: {  	v3 =	vld.idx.msk [tilespmem:v3+s3+$0x0], $0xffff  }
0xe9: {  	v4 =	vld.idx.msk [tilespmem:v4+s3+$0x0], $0xffff  }
0xea: {  	v5 =	vld.idx.msk [tilespmem:v5+s3+$0x0], $0xffff  }
0xeb: {  	[tilespmem:s18+$0xFFFFFF90] =	vst v0;
	v7 =	vld.idx.msk [tilespmem:v7+s3+$0x0], $0xffff  }
0xec: {  	v14 =	vld.idx.msk [tilespmem:v14+s3+$0x0], $0xffff;
	[tilespmem:s18+$0xFFFFFFA0] =	vst v1  }
0xed: {  	[tilespmem:s18+$0xFFFFFFB0] =	vst v2;
	v8 =	vld.idx.msk [tilespmem:v8+s3+$0x0], $0xffff  }
0xee: {  	[tilespmem:s18+$0xFFFFFFC0] =	vst v3;
	v0 =	vld.idx.msk [tilespmem:v9+s3+$0x0], $0xffff  }
.Ltmp2:
0xef: {  	[tilespmem:s18+$0xFFFFFFD0] =	vst v4;
	v1 =	vld.idx.msk [tilespmem:v10+s3+$0x0], $0xffff;
	(pc) =	sbr.rel @p0 .LBB2_6-.Ltmp2, $4  }
0xf0: {  	[tilespmem:s18+$0xFFFFFFE0] =	vst v5;
	v2 =	vld.idx.msk [tilespmem:v11+s3+$0x0], $0xffff  }
0xf1: {  	[tilespmem:s18+$0xFFFFFFF0] =	vst v7;
	v3 =	vld.idx.msk [tilespmem:v12+s3+$0x0], $0xffff  }
0xf2: {  	[tilespmem:s18+$0xFFFFFF80] =	vst v14;
	v4 =	vld.idx.msk [tilespmem:v13+s3+$0x0], $0xffff  }
0xf3: {  	s20 =	sadd.s32 $0x100, s20;
	[tilespmem:s18+$0x0] =	vst v8;
	v5 =	vld.idx.msk [tilespmem:v6+s3+$0x0], $0xffff  }
0xf4: {  	[tilespmem:s18+$0x10] =	vst v0  }
0xf5: {  	[tilespmem:s18+$0x20] =	vst v1  }
0xf6: {  	[tilespmem:s18+$0x30] =	vst v2  }
0xf7: {  	[tilespmem:s18+$0x40] =	vst v3  }
0xf8: {  	[tilespmem:s18+$0x50] =	vst v4  }
0xf9: {  	[tilespmem:s18+$0x60] =	vst v5  }
0xfa: {  	[hbm4b:s8+s12] =	stream.strided.scatter [tilespmem:s15], [sflag:$0x2], $0x2000, s13, s12, $0x38;
	[tilespmem:$0x1E700] =	vst v63  }
0xfb: {  	_ =	swait.ge [sflag:s16], $0x2000  }
0xfc: {  	[sflag:s16] =	ssyncset.done $0x0  }
0xfd: {  	s31 =	simm.s32 $0x1A7F0;
	[sflag:s16] =	ssyncadd.s32 $0xFFFFE000  }
0xfe: {  	v0 =	vld [tilespmem:s31+$0x0]  }
0xff: {  	v1 =	vld [tilespmem:s31+$0xFFFFFF20]  }
0x100: {  	v2 =	vld [tilespmem:s31+$0xFFFFFF30]  }
0x101: {  	v3 =	vld [tilespmem:s31+$0xFFFFFF40]  }
0x102: {  	v4 =	vld [tilespmem:s31+$0xFFFFFF50]  }
0x103: {  	v5 =	vld [tilespmem:s31+$0xFFFFFF60]  }
0x104: {  	v6 =	vld [tilespmem:s31+$0xFFFFFF70]  }
0x105: {  	v7 =	vld [tilespmem:s31+$0xFFFFFF80]  }
0x106: {  	v8 =	vld [tilespmem:s31+$0xFFFFFF90]  }
0x107: {  	v9 =	vld [tilespmem:s31+$0xFFFFFFA0]  }
0x108: {  	v10 =	vld [tilespmem:s31+$0xFFFFFFB0]  }
0x109: {  	v11 =	vld [tilespmem:s31+$0xFFFFFFC0]  }
0x10a: {  	v12 =	vld [tilespmem:s31+$0xFFFFFFD0]  }
0x10b: {  	v13 =	vld [tilespmem:s31+$0xFFFFFFE0]  }
0x10c: {  	v14 =	vld [tilespmem:s31+$0xFFFFFFF0]  }
0x10d: {  	v15 =	vld [tilespmem:s31+$0xFFFFFF10]  }
0x10e: {  	v0 =	vld.idx.msk [tilespmem:v0+s3+$0x0], $0xffff  }
0x10f: {  	v1 =	vld.idx.msk [tilespmem:v1+s3+$0x0], $0xffff  }
0x110: {  	v2 =	vld.idx.msk [tilespmem:v2+s3+$0x0], $0xffff  }
0x111: {  	v3 =	vld.idx.msk [tilespmem:v3+s3+$0x0], $0xffff  }
0x112: {  	v4 =	vld.idx.msk [tilespmem:v4+s3+$0x0], $0xffff  }
0x113: {  	s18 =	simm.s32 $0x1C780;
	v5 =	vld.idx.msk [tilespmem:v5+s3+$0x0], $0xffff  }
0x114: {  	v6 =	vld.idx.msk [tilespmem:v6+s3+$0x0], $0xffff;
	[tilespmem:s18+$0x70] =	vst v0  }
0x115: {  	v7 =	vld.idx.msk [tilespmem:v7+s3+$0x0], $0xffff;
	[tilespmem:s18+$0xFFFFFF90] =	vst v1  }
0x116: {  	v15 =	vld.idx.msk [tilespmem:v15+s3+$0x0], $0xffff;
	[tilespmem:s18+$0xFFFFFFA0] =	vst v2  }
0x117: {  	v8 =	vld.idx.msk [tilespmem:v8+s3+$0x0], $0xffff;
	[tilespmem:s18+$0xFFFFFFB0] =	vst v3  }
0x118: {  	[tilespmem:s18+$0xFFFFFFC0] =	vst v4;
	v0 =	vld.idx.msk [tilespmem:v9+s3+$0x0], $0xffff  }
0x119: {  	[tilespmem:s18+$0xFFFFFFD0] =	vst v5;
	v1 =	vld.idx.msk [tilespmem:v10+s3+$0x0], $0xffff  }
0x11a: {  	[tilespmem:s18+$0xFFFFFFE0] =	vst v6;
	v2 =	vld.idx.msk [tilespmem:v11+s3+$0x0], $0xffff  }
0x11b: {  	[tilespmem:s18+$0xFFFFFFF0] =	vst v7;
	v3 =	vld.idx.msk [tilespmem:v12+s3+$0x0], $0xffff  }
0x11c: {  	[tilespmem:s18+$0xFFFFFF80] =	vst v15;
	v4 =	vld.idx.msk [tilespmem:v13+s3+$0x0], $0xffff  }
0x11d: {  	s19 =	simm.s32 $0x0;
	s20 =	simm.s32 $0x1A8F0;
	[tilespmem:s18+$0x0] =	vst v8;
	v5 =	vld.idx.msk [tilespmem:v14+s3+$0x0], $0xffff  }
.LBB2_8:
0x11e: {  	v6 =	vld [tilespmem:s20+$0x0];
	s19 =	sadd.s32 $0x10, s19;
	[tilespmem:s18+$0x10] =	vst v0  }
0x11f: {  	v0 =	vld [tilespmem:s20+$0xFFFFFF20];
	p0 =	slt.u32 s19, $0x1F0;
	[tilespmem:s18+$0x20] =	vst v1  }
0x120: {  	v1 =	vld [tilespmem:s20+$0xFFFFFF30];
	[tilespmem:s18+$0x30] =	vst v2  }
0x121: {  	v2 =	vld [tilespmem:s20+$0xFFFFFF40];
	[tilespmem:s18+$0x40] =	vst v3  }
0x122: {  	v3 =	vld [tilespmem:s20+$0xFFFFFF50];
	[tilespmem:s18+$0x50] =	vst v4  }
0x123: {  	v4 =	vld [tilespmem:s20+$0xFFFFFF60];
	[tilespmem:s18+$0x60] =	vst v5  }
0x124: {  	v5 =	vld [tilespmem:s20+$0xFFFFFF70]  }
0x125: {  	v7 =	vld [tilespmem:s20+$0xFFFFFF80]  }
0x126: {  	v6 =	vld.idx.msk [tilespmem:v6+s3+$0x0], $0xffff  }
0x127: {  	v8 =	vld [tilespmem:s20+$0xFFFFFF90]  }
0x128: {  	v9 =	vld [tilespmem:s20+$0xFFFFFFA0]  }
0x129: {  	v10 =	vld [tilespmem:s20+$0xFFFFFFB0]  }
0x12a: {  	v11 =	vld [tilespmem:s20+$0xFFFFFFC0]  }
0x12b: {  	s18 =	sadd.s32 $0x100, s18;
	v12 =	vld [tilespmem:s20+$0xFFFFFFD0]  }
0x12c: {  	v13 =	vld [tilespmem:s20+$0xFFFFFFE0];
	[tilespmem:s18+$0x70] =	vst v6  }
0x12d: {  	v6 =	vld [tilespmem:s20+$0xFFFFFFF0]  }
0x12e: {  	v14 =	vld [tilespmem:s20+$0xFFFFFF10]  }
0x12f: {  	v0 =	vld.idx.msk [tilespmem:v0+s3+$0x0], $0xffff  }
0x130: {  	v1 =	vld.idx.msk [tilespmem:v1+s3+$0x0], $0xffff  }
0x131: {  	v2 =	vld.idx.msk [tilespmem:v2+s3+$0x0], $0xffff  }
0x132: {  	v3 =	vld.idx.msk [tilespmem:v3+s3+$0x0], $0xffff  }
0x133: {  	v4 =	vld.idx.msk [tilespmem:v4+s3+$0x0], $0xffff  }
0x134: {  	v5 =	vld.idx.msk [tilespmem:v5+s3+$0x0], $0xffff  }
0x135: {  	[tilespmem:s18+$0xFFFFFF90] =	vst v0;
	v7 =	vld.idx.msk [tilespmem:v7+s3+$0x0], $0xffff  }
0x136: {  	v14 =	vld.idx.msk [tilespmem:v14+s3+$0x0], $0xffff;
	[tilespmem:s18+$0xFFFFFFA0] =	vst v1  }
0x137: {  	[tilespmem:s18+$0xFFFFFFB0] =	vst v2;
	v8 =	vld.idx.msk [tilespmem:v8+s3+$0x0], $0xffff  }
0x138: {  	[tilespmem:s18+$0xFFFFFFC0] =	vst v3;
	v0 =	vld.idx.msk [tilespmem:v9+s3+$0x0], $0xffff  }
.Ltmp3:
0x139: {  	[tilespmem:s18+$0xFFFFFFD0] =	vst v4;
	v1 =	vld.idx.msk [tilespmem:v10+s3+$0x0], $0xffff;
	(pc) =	sbr.rel @p0 .LBB2_8-.Ltmp3, $4  }
0x13a: {  	[tilespmem:s18+$0xFFFFFFE0] =	vst v5;
	v2 =	vld.idx.msk [tilespmem:v11+s3+$0x0], $0xffff  }
0x13b: {  	[tilespmem:s18+$0xFFFFFFF0] =	vst v7;
	v3 =	vld.idx.msk [tilespmem:v12+s3+$0x0], $0xffff  }
0x13c: {  	[tilespmem:s18+$0xFFFFFF80] =	vst v14;
	v4 =	vld.idx.msk [tilespmem:v13+s3+$0x0], $0xffff  }
0x13d: {  	s20 =	sadd.s32 $0x100, s20;
	[tilespmem:s18+$0x0] =	vst v8;
	v5 =	vld.idx.msk [tilespmem:v6+s3+$0x0], $0xffff  }
0x13e: {  	[tilespmem:s18+$0x10] =	vst v0  }
0x13f: {  	[tilespmem:s18+$0x20] =	vst v1  }
0x140: {  	[tilespmem:s18+$0x30] =	vst v2  }
0x141: {  	s17 =	sadd.s32 $0x1, s17;
	[tilespmem:s18+$0x40] =	vst v3  }
0x142: {  	p0 =	sne.s32 s17, s10;
	[tilespmem:s18+$0x50] =	vst v4  }
.Ltmp4:
0x143: {  	[tilespmem:s18+$0x60] =	vst v5;
	(pc) =	sbr.rel @p0 .LBB2_1-.Ltmp4, $4  }
0x144: {  	[hbm4b:s9+s12] =	stream.strided.scatter [tilespmem:s15], [sflag:$0x2], $0x2000, s13, s12, $0x38;
	[tilespmem:$0x1E700] =	vst v63  }
0x145: {  	_ =	swait.ge [sflag:s16], $0x2000  }
0x146: {  	[sflag:s16] =	ssyncset.done $0x0  }
0x147: {  	[sflag:s16] =	ssyncadd.s32 $0xFFFFE000  }
0x148: {  	_ =	sfence.sel $0x180000  }
0x149: {  	[bflag:$0x0] =	sbarrier.arrive $0xFFFF  }
0x14a: {  	p0 =	sne.s32 s2, $0x0;
	_ =	strace $0x90000047  }
0x14b: {  	s0 =	sadd.s32 @!p0 $0x100000, s0;
	[bflag:$0x2] =	sbarrier.arrive $0xFFFF  }
0x14c: {  	[sflag:s0] =	ssyncadd.tile.s32 @!p0 $0x1;
	_ =	shalt  }
.Lfunc_end2:
_tile_overlayer_lowered:
.L_overlay_start_2:
0x14d: {  	(tag) =	ssettag $0x2  }
0x14e: {  	s0 =	rddreg [dreg:$0x0];
	s2 =	stileid.u32  }
0x14f: {  	s1 =	rddreg [dreg:$0x1];
	p0 =	sne.s32 s2, $0x0  }
0x150: {  	s3 =	rddreg [dreg:$0x2];
	[bflag:$0x3] =	sbarrier.arrive $0xFFFF;
	s2 =	simm.s32 @!p0 $0x1C03  }
0x151: {  	[timem:s3], [sflag:s2] =	dma.local @!p0 [hbm:s0], s1  }
0x152: {  	s0 =	simm.s32 @!p0 $0x3  }
0x153: {  	_ =	swait.ge @!p0 [sflag:s0], s1  }
0x154: {  	s1 =	ssub.s32 @!p0 $0x0, s1;
	[sflag:s0] =	ssyncset.done @!p0 $0x0  }
0x155: {  	[sflag:s0] =	ssyncadd.s32 @!p0 s1  }
0x156: {  	[bflag:$0x3] =	sbarrier.arrive $0xFFFF  }
0x157: {  	_ =	shalt  }

</sc_bundles>
